<compile_context>
chip_gen: v7x
topology: tpu7x:2x2x1
jax: 0.10.2.dev20260603
libtpu: 0.0.44.dev20260713+nightly
codegen_flags: <defaults>
</compile_context>

<pallas_src>
import functools

import jax
import jax.numpy as jnp
from jax import lax
from jax.experimental import pallas as pl
from jax.experimental.pallas import tpu as pltpu
from jax.experimental.pallas import tpu_sc as plsc

_NC = 2
_NS = 16
_L = 16
_NW = _NC * _NS

_B = 16384
_D = 64
_V = 1000000
_BPW = _B // _NW
_CHUNK = 128
_GROUPS = _BPW // _L
_BLK = 16384


def _fold_body(w1_ref, b1_ref, w2_ref, b2_ref, w3_ref, b3_ref,
               weff_ref, beff_ref):
    w2v = w2_ref[...]
    w3v = w3_ref[...]
    w23 = jnp.dot(w2v, w3v, preferred_element_type=jnp.float32)
    weff_ref[...] = jnp.dot(w1_ref[...], w23,
                            preferred_element_type=jnp.float32)
    beff_ref[...] = (jnp.dot(b1_ref[...], w23,
                             preferred_element_type=jnp.float32)
                     + jnp.dot(b2_ref[...], w3v,
                               preferred_element_type=jnp.float32)
                     + b3_ref[...])


_fold = pl.pallas_call(
    _fold_body,
    out_shape=(jax.ShapeDtypeStruct((2 * _D, 1), jnp.float32),
               jax.ShapeDtypeStruct((1, 1), jnp.float32)),
)


def _proj_body(w_ref, t_ref, c_ref, pt_ref, pc_ref):
    w = w_ref[...]
    wt = w[:, :_D]
    wc = w[:, _D:]
    pt_ref[...] = jnp.dot(wt, t_ref[...],
                          preferred_element_type=jnp.float32)[0]
    pc_ref[...] = jnp.dot(wc, c_ref[...],
                          preferred_element_type=jnp.float32)[0]


_proj = pl.pallas_call(
    _proj_body,
    grid=(pl.cdiv(_V, _BLK),),
    in_specs=[
        pl.BlockSpec((1, 2 * _D), lambda i: (0, 0)),
        pl.BlockSpec((_D, _BLK), lambda i: (0, i)),
        pl.BlockSpec((_D, _BLK), lambda i: (0, i)),
    ],
    out_specs=[
        pl.BlockSpec((_BLK,), lambda i: (i,)),
        pl.BlockSpec((_BLK,), lambda i: (i,)),
    ],
    out_shape=(jax.ShapeDtypeStruct((_V,), jnp.float32),
               jax.ShapeDtypeStruct((_V,), jnp.float32)),
)


def _sc_body(tidx_hbm, cidx_hbm, pt_hbm, pc_hbm, b_hbm,
             out_hbm,
             tidx_v, cidx_v, gt_v, gc_v, b_v, out_v, sem):
    wid = lax.axis_index("s") * _NC + lax.axis_index("c")
    base = wid * _BPW

    ti_cp = pltpu.async_copy(tidx_hbm.at[pl.ds(base, _BPW)], tidx_v, sem)
    ci_cp = pltpu.async_copy(cidx_hbm.at[pl.ds(base, _BPW)], cidx_v, sem)
    ti_cp.wait()
    ci_cp.wait()
    copies = []
    for j in range(_BPW // _CHUNK):
        sl = pl.ds(j * _CHUNK, _CHUNK)
        copies.append(pltpu.async_copy(pt_hbm.at[tidx_v.at[sl]],
                                       gt_v.at[sl], sem))
        copies.append(pltpu.async_copy(pc_hbm.at[cidx_v.at[sl]],
                                       gc_v.at[sl], sem))
    pltpu.sync_copy(b_hbm, b_v)
    for c in copies:
        c.wait()

    bvec = b_v[...]

    def group(g, carry):
        sl = pl.ds(g * _L, _L)
        x = gt_v[sl] + gc_v[sl] + bvec
        out_v[sl] = 1.0 / (1.0 + jnp.exp(-x))
        return carry

    lax.fori_loop(0, _GROUPS, group, 0)
    pltpu.sync_copy(out_v, out_hbm.at[pl.ds(base, _BPW)])


_sc_lookup = functools.partial(
    pl.kernel,
    mesh=plsc.VectorSubcoreMesh(core_axis_name="c", subcore_axis_name="s"),
    out_type=jax.ShapeDtypeStruct((_B,), jnp.float32),
    compiler_params=pltpu.CompilerParams(needs_layout_passes=False,
                                         use_tc_tiling_on_sc=False),
    scratch_types=[
        pltpu.VMEM((_BPW,), jnp.int32),
        pltpu.VMEM((_BPW,), jnp.int32),
        pltpu.VMEM((_BPW,), jnp.float32),
        pltpu.VMEM((_BPW,), jnp.float32),
        pltpu.VMEM((_L,), jnp.float32),
        pltpu.VMEM((_BPW,), jnp.float32),
        pltpu.SemaphoreType.DMA,
    ],
)(_sc_body)


def kernel(inputs, target_table, context_table, W1, b1, W2, b2, W3, b3):
    tgt = inputs[:, 0]
    ctx = inputs[:, 1]
    weff, beff = _fold(W1, b1.reshape(1, -1), W2, b2.reshape(1, -1),
                       W3, b3.reshape(1, 1))
    proj_t, proj_c = _proj(weff.reshape(1, -1),
                           target_table.T, context_table.T)
    bsplat = jnp.tile(beff.reshape(-1), _L)
    out = _sc_lookup(tgt, ctx, proj_t, proj_c, bsplat)
    return out.reshape(_B, 1)

# --- scband reference (transcript-rebuilt; emitter-appended) ---
"""Pipeline reference for scband-simple-word2-vec-ffnn-11785390260728 (READ-ONLY COPY).

The authoritative reference and input builder live on the scoring server;
editing this copy changes nothing except your own understanding.
"""

import jax, jax.numpy as jnp
import numpy as np

VOCAB = 1000000
EMB = 64
NODE = 64
BATCH = 16384

def setup_inputs(seed: int = 0) -> dict:
    key = jax.random.key(seed)
    ks = jax.random.split(key, 10)
    inputs = jax.random.randint(ks[0], (BATCH, 2), 0, VOCAB, dtype=jnp.int64 if jax.config.jax_enable_x64 else jnp.int32).astype(jnp.int32)
    target_table = jax.random.normal(ks[1], (VOCAB, EMB), dtype=jnp.float32) * 0.02
    context_table = jax.random.normal(ks[2], (VOCAB, EMB), dtype=jnp.float32) * 0.02
    W1 = jax.random.normal(ks[3], (2 * EMB, NODE), dtype=jnp.float32) * (1.0 / np.sqrt(2 * EMB))
    b1 = jnp.zeros((NODE,), dtype=jnp.float32)
    W2 = jax.random.normal(ks[4], (NODE, NODE), dtype=jnp.float32) * (1.0 / np.sqrt(NODE))
    b2 = jnp.zeros((NODE,), dtype=jnp.float32)
    W3 = jax.random.normal(ks[5], (NODE, 1), dtype=jnp.float32) * (1.0 / np.sqrt(NODE))
    b3 = jnp.zeros((1,), dtype=jnp.float32)
    return {"inputs": inputs, "target_table": target_table, "context_table": context_table,
            "W1": W1, "b1": b1, "W2": W2, "b2": b2, "W3": W3, "b3": b3}

def reference(inputs, target_table, context_table, W1, b1, W2, b2, W3, b3):
    target = inputs[:, 0]
    context = inputs[:, 1]
    target_emb = jnp.take(target_table, target, axis=0)
    context_emb = jnp.take(context_table, context, axis=0)
    combined = jnp.concatenate([target_emb, context_emb], axis=1)
    out = combined @ W1 + b1
    out = out @ W2 + b2
    out = out @ W3 + b3
    out = jax.nn.sigmoid(out)
    return out

if __name__ == "__main__":
    import jax
    _d = setup_inputs()
    print(jax.jit(kernel)(*tuple(_d.values())))

</pallas_src>

<mosaic_0001>
#map = affine_map<(d0, d1) -> (0)>
module attributes {stable_mosaic.version = 14 : i64} {
  func.func @_sc_body(%arg0: i32, %arg1: i32, %arg2: memref<16384xi32, #tpu.memory_space<hbm>>, %arg3: memref<16384xi32, #tpu.memory_space<hbm>>, %arg4: memref<1000000xf32, #tpu.memory_space<hbm>>, %arg5: memref<1000000xf32, #tpu.memory_space<hbm>>, %arg6: memref<16xf32, #tpu.memory_space<hbm>>, %arg7: memref<16384xf32, #tpu.memory_space<hbm>>, %arg8: memref<512xi32, #tpu.memory_space<vmem>>, %arg9: memref<512xi32, #tpu.memory_space<vmem>>, %arg10: memref<512xf32, #tpu.memory_space<vmem>>, %arg11: memref<512xf32, #tpu.memory_space<vmem>>, %arg12: memref<16xf32, #tpu.memory_space<vmem>>, %arg13: memref<512xf32, #tpu.memory_space<vmem>>, %arg14: memref<!tpu.dma_semaphore, #tpu.memory_space<semaphore_mem>>) attributes {dimension_semantics = [#tpu.dimension_semantics<core_parallel>, #tpu.dimension_semantics<subcore_parallel>], iteration_bounds = array<i64: 2, 16>, scalar_prefetch = 0 : i64, scratch_operands = 7 : i64, tpu.core_type = #tpu.core_type<sc_vector_subcore>, window_params = [{transform_indices = #map}, {transform_indices = #map}, {transform_indices = #map}, {transform_indices = #map}, {transform_indices = #map}, {transform_indices = #map}]} {
    %mul3A = arith.constant 2 : i32
    %mul3A_0 = arith.muli %arg1, %mul3A : i32
    %add3A = arith.addi %mul3A_0, %arg0 : i32
    %mul3A_1 = arith.constant 512 : i32
    %mul3A_2 = arith.muli %add3A, %mul3A_1 : i32
    %dma_start3A = tpu.memref_slice %arg2[%mul3A_2] : memref<16384xi32, #tpu.memory_space<hbm>> -> memref<512xi32, #tpu.memory_space<hbm>>
    %dma_start3A_3 = tpu.memref_slice %arg2[%mul3A_2] : memref<16384xi32, #tpu.memory_space<hbm>> -> memref<512xi32, #tpu.memory_space<hbm>>
    tpu.enqueue_dma source(%dma_start3A_3 : memref<512xi32, #tpu.memory_space<hbm>>) target(%arg8 : memref<512xi32, #tpu.memory_space<vmem>>) target_semaphore(%arg14 : memref<!tpu.dma_semaphore, #tpu.memory_space<semaphore_mem>>)
    %dma_start3A_4 = tpu.memref_slice %arg3[%mul3A_2] : memref<16384xi32, #tpu.memory_space<hbm>> -> memref<512xi32, #tpu.memory_space<hbm>>
    %dma_start3A_5 = tpu.memref_slice %arg3[%mul3A_2] : memref<16384xi32, #tpu.memory_space<hbm>> -> memref<512xi32, #tpu.memory_space<hbm>>
    tpu.enqueue_dma source(%dma_start3A_5 : memref<512xi32, #tpu.memory_space<hbm>>) target(%arg9 : memref<512xi32, #tpu.memory_space<vmem>>) target_semaphore(%arg14 : memref<!tpu.dma_semaphore, #tpu.memory_space<semaphore_mem>>)
    %dma_wait3A = tpu.memref_slice %arg2[%mul3A_2] : memref<16384xi32, #tpu.memory_space<hbm>> -> memref<512xi32, #tpu.memory_space<hbm>>
    %dma_wait3A_6 = tpu.memref_slice %arg2[%mul3A_2] : memref<16384xi32, #tpu.memory_space<hbm>> -> memref<512xi32, #tpu.memory_space<hbm>>
    tpu.wait_dma2 semaphore(%arg14 : memref<!tpu.dma_semaphore, #tpu.memory_space<semaphore_mem>>) src(%dma_wait3A_6 : memref<512xi32, #tpu.memory_space<hbm>>) dst(%arg8 : memref<512xi32, #tpu.memory_space<vmem>>)
    %dma_wait3A_7 = tpu.memref_slice %arg3[%mul3A_2] : memref<16384xi32, #tpu.memory_space<hbm>> -> memref<512xi32, #tpu.memory_space<hbm>>
    %dma_wait3A_8 = tpu.memref_slice %arg3[%mul3A_2] : memref<16384xi32, #tpu.memory_space<hbm>> -> memref<512xi32, #tpu.memory_space<hbm>>
    tpu.wait_dma2 semaphore(%arg14 : memref<!tpu.dma_semaphore, #tpu.memory_space<semaphore_mem>>) src(%dma_wait3A_8 : memref<512xi32, #tpu.memory_space<hbm>>) dst(%arg9 : memref<512xi32, #tpu.memory_space<vmem>>)
    %dma_start3A_9 = arith.constant 0 : i32
    %dma_start3A_10 = tpu.memref_slice %arg10[%dma_start3A_9] : memref<512xf32, #tpu.memory_space<vmem>> -> memref<128xf32, #tpu.memory_space<vmem>>
    %dma_start3A_11 = arith.constant 0 : i32
    %dma_start3A_12 = tpu.memref_slice %arg8[%dma_start3A_11] : memref<512xi32, #tpu.memory_space<vmem>> -> memref<128xi32, #tpu.memory_space<vmem>>
    %dma_start3A_13 = arith.constant 0 : i32
    %dma_start3A_14 = tpu.memref_slice %arg4[%dma_start3A_13] : memref<1000000xf32, #tpu.memory_space<hbm>> -> memref<1000000xf32, #tpu.memory_space<hbm>>
    tpu.enqueue_indirect_dma source(%dma_start3A_14 : memref<1000000xf32, #tpu.memory_space<hbm>>) target(%dma_start3A_10 : memref<128xf32, #tpu.memory_space<vmem>>) offsets(%dma_start3A_12 : memref<128xi32, #tpu.memory_space<vmem>>) semaphore(%arg14 : memref<!tpu.dma_semaphore, #tpu.memory_space<semaphore_mem>>)
    %dma_start3A_15 = arith.constant 0 : i32
    %dma_start3A_16 = tpu.memref_slice %arg11[%dma_start3A_15] : memref<512xf32, #tpu.memory_space<vmem>> -> memref<128xf32, #tpu.memory_space<vmem>>
    %dma_start3A_17 = arith.constant 0 : i32
    %dma_start3A_18 = tpu.memref_slice %arg9[%dma_start3A_17] : memref<512xi32, #tpu.memory_space<vmem>> -> memref<128xi32, #tpu.memory_space<vmem>>
    %dma_start3A_19 = arith.constant 0 : i32
    %dma_start3A_20 = tpu.memref_slice %arg5[%dma_start3A_19] : memref<1000000xf32, #tpu.memory_space<hbm>> -> memref<1000000xf32, #tpu.memory_space<hbm>>
    tpu.enqueue_indirect_dma source(%dma_start3A_20 : memref<1000000xf32, #tpu.memory_space<hbm>>) target(%dma_start3A_16 : memref<128xf32, #tpu.memory_space<vmem>>) offsets(%dma_start3A_18 : memref<128xi32, #tpu.memory_space<vmem>>) semaphore(%arg14 : memref<!tpu.dma_semaphore, #tpu.memory_space<semaphore_mem>>)
    %dma_start3A_21 = arith.constant 128 : i32
    %dma_start3A_22 = tpu.memref_slice %arg10[%dma_start3A_21] : memref<512xf32, #tpu.memory_space<vmem>> -> memref<128xf32, #tpu.memory_space<vmem>>
    %dma_start3A_23 = arith.constant 128 : i32
    %dma_start3A_24 = tpu.memref_slice %arg8[%dma_start3A_23] : memref<512xi32, #tpu.memory_space<vmem>> -> memref<128xi32, #tpu.memory_space<vmem>>
    %dma_start3A_25 = arith.constant 0 : i32
    %dma_start3A_26 = tpu.memref_slice %arg4[%dma_start3A_25] : memref<1000000xf32, #tpu.memory_space<hbm>> -> memref<1000000xf32, #tpu.memory_space<hbm>>
    tpu.enqueue_indirect_dma source(%dma_start3A_26 : memref<1000000xf32, #tpu.memory_space<hbm>>) target(%dma_start3A_22 : memref<128xf32, #tpu.memory_space<vmem>>) offsets(%dma_start3A_24 : memref<128xi32, #tpu.memory_space<vmem>>) semaphore(%arg14 : memref<!tpu.dma_semaphore, #tpu.memory_space<semaphore_mem>>)
    %dma_start3A_27 = arith.constant 128 : i32
    %dma_start3A_28 = tpu.memref_slice %arg11[%dma_start3A_27] : memref<512xf32, #tpu.memory_space<vmem>> -> memref<128xf32, #tpu.memory_space<vmem>>
    %dma_start3A_29 = arith.constant 128 : i32
    %dma_start3A_30 = tpu.memref_slice %arg9[%dma_start3A_29] : memref<512xi32, #tpu.memory_space<vmem>> -> memref<128xi32, #tpu.memory_space<vmem>>
    %dma_start3A_31 = arith.constant 0 : i32
    %dma_start3A_32 = tpu.memref_slice %arg5[%dma_start3A_31] : memref<1000000xf32, #tpu.memory_space<hbm>> -> memref<1000000xf32, #tpu.memory_space<hbm>>
    tpu.enqueue_indirect_dma source(%dma_start3A_32 : memref<1000000xf32, #tpu.memory_space<hbm>>) target(%dma_start3A_28 : memref<128xf32, #tpu.memory_space<vmem>>) offsets(%dma_start3A_30 : memref<128xi32, #tpu.memory_space<vmem>>) semaphore(%arg14 : memref<!tpu.dma_semaphore, #tpu.memory_space<semaphore_mem>>)
    %dma_start3A_33 = arith.constant 256 : i32
    %dma_start3A_34 = tpu.memref_slice %arg10[%dma_start3A_33] : memref<512xf32, #tpu.memory_space<vmem>> -> memref<128xf32, #tpu.memory_space<vmem>>
    %dma_start3A_35 = arith.constant 256 : i32
    %dma_start3A_36 = tpu.memref_slice %arg8[%dma_start3A_35] : memref<512xi32, #tpu.memory_space<vmem>> -> memref<128xi32, #tpu.memory_space<vmem>>
    %dma_start3A_37 = arith.constant 0 : i32
    %dma_start3A_38 = tpu.memref_slice %arg4[%dma_start3A_37] : memref<1000000xf32, #tpu.memory_space<hbm>> -> memref<1000000xf32, #tpu.memory_space<hbm>>
    tpu.enqueue_indirect_dma source(%dma_start3A_38 : memref<1000000xf32, #tpu.memory_space<hbm>>) target(%dma_start3A_34 : memref<128xf32, #tpu.memory_space<vmem>>) offsets(%dma_start3A_36 : memref<128xi32, #tpu.memory_space<vmem>>) semaphore(%arg14 : memref<!tpu.dma_semaphore, #tpu.memory_space<semaphore_mem>>)
    %dma_start3A_39 = arith.constant 256 : i32
    %dma_start3A_40 = tpu.memref_slice %arg11[%dma_start3A_39] : memref<512xf32, #tpu.memory_space<vmem>> -> memref<128xf32, #tpu.memory_space<vmem>>
    %dma_start3A_41 = arith.constant 256 : i32
    %dma_start3A_42 = tpu.memref_slice %arg9[%dma_start3A_41] : memref<512xi32, #tpu.memory_space<vmem>> -> memref<128xi32, #tpu.memory_space<vmem>>
    %dma_start3A_43 = arith.constant 0 : i32
    %dma_start3A_44 = tpu.memref_slice %arg5[%dma_start3A_43] : memref<1000000xf32, #tpu.memory_space<hbm>> -> memref<1000000xf32, #tpu.memory_space<hbm>>
    tpu.enqueue_indirect_dma source(%dma_start3A_44 : memref<1000000xf32, #tpu.memory_space<hbm>>) target(%dma_start3A_40 : memref<128xf32, #tpu.memory_space<vmem>>) offsets(%dma_start3A_42 : memref<128xi32, #tpu.memory_space<vmem>>) semaphore(%arg14 : memref<!tpu.dma_semaphore, #tpu.memory_space<semaphore_mem>>)
    %dma_start3A_45 = arith.constant 384 : i32
    %dma_start3A_46 = tpu.memref_slice %arg10[%dma_start3A_45] : memref<512xf32, #tpu.memory_space<vmem>> -> memref<128xf32, #tpu.memory_space<vmem>>
    %dma_start3A_47 = arith.constant 384 : i32
    %dma_start3A_48 = tpu.memref_slice %arg8[%dma_start3A_47] : memref<512xi32, #tpu.memory_space<vmem>> -> memref<128xi32, #tpu.memory_space<vmem>>
    %dma_start3A_49 = arith.constant 0 : i32
    %dma_start3A_50 = tpu.memref_slice %arg4[%dma_start3A_49] : memref<1000000xf32, #tpu.memory_space<hbm>> -> memref<1000000xf32, #tpu.memory_space<hbm>>
    tpu.enqueue_indirect_dma source(%dma_start3A_50 : memref<1000000xf32, #tpu.memory_space<hbm>>) target(%dma_start3A_46 : memref<128xf32, #tpu.memory_space<vmem>>) offsets(%dma_start3A_48 : memref<128xi32, #tpu.memory_space<vmem>>) semaphore(%arg14 : memref<!tpu.dma_semaphore, #tpu.memory_space<semaphore_mem>>)
    %dma_start3A_51 = arith.constant 384 : i32
    %dma_start3A_52 = tpu.memref_slice %arg11[%dma_start3A_51] : memref<512xf32, #tpu.memory_space<vmem>> -> memref<128xf32, #tpu.memory_space<vmem>>
    %dma_start3A_53 = arith.constant 384 : i32
    %dma_start3A_54 = tpu.memref_slice %arg9[%dma_start3A_53] : memref<512xi32, #tpu.memory_space<vmem>> -> memref<128xi32, #tpu.memory_space<vmem>>
    %dma_start3A_55 = arith.constant 0 : i32
    %dma_start3A_56 = tpu.memref_slice %arg5[%dma_start3A_55] : memref<1000000xf32, #tpu.memory_space<hbm>> -> memref<1000000xf32, #tpu.memory_space<hbm>>
    tpu.enqueue_indirect_dma source(%dma_start3A_56 : memref<1000000xf32, #tpu.memory_space<hbm>>) target(%dma_start3A_52 : memref<128xf32, #tpu.memory_space<vmem>>) offsets(%dma_start3A_54 : memref<128xi32, #tpu.memory_space<vmem>>) semaphore(%arg14 : memref<!tpu.dma_semaphore, #tpu.memory_space<semaphore_mem>>)
    "tpu.region"() ({
      %run_scoped3A = tpu.sem_alloc : memref<!tpu.dma_semaphore, #tpu.memory_space<semaphore_mem>>
      tpu.enqueue_dma source(%arg6 : memref<16xf32, #tpu.memory_space<hbm>>) target(%arg12 : memref<16xf32, #tpu.memory_space<vmem>>) target_semaphore(%run_scoped3A : memref<!tpu.dma_semaphore, #tpu.memory_space<semaphore_mem>>)
      tpu.wait_dma2 semaphore(%run_scoped3A : memref<!tpu.dma_semaphore, #tpu.memory_space<semaphore_mem>>) src(%arg6 : memref<16xf32, #tpu.memory_space<hbm>>) dst(%arg12 : memref<16xf32, #tpu.memory_space<vmem>>)
      tpu.yield
    }) : () -> ()
    %dma_wait3A_57 = arith.constant 0 : i32
    %dma_wait3A_58 = tpu.memref_slice %arg10[%dma_wait3A_57] : memref<512xf32, #tpu.memory_space<vmem>> -> memref<128xf32, #tpu.memory_space<vmem>>
    %dma_wait3A_59 = arith.constant 0 : i32
    %dma_wait3A_60 = tpu.memref_slice %arg8[%dma_wait3A_59] : memref<512xi32, #tpu.memory_space<vmem>> -> memref<128xi32, #tpu.memory_space<vmem>>
    %dma_wait3A_61 = arith.constant 0 : i32
    %dma_wait3A_62 = tpu.memref_slice %arg4[%dma_wait3A_61] : memref<1000000xf32, #tpu.memory_space<hbm>> -> memref<1000000xf32, #tpu.memory_space<hbm>>
    tpu.wait_indirect_dma semaphore(%arg14 : memref<!tpu.dma_semaphore, #tpu.memory_space<semaphore_mem>>) src(%dma_wait3A_62 : memref<1000000xf32, #tpu.memory_space<hbm>>) dst(%dma_wait3A_58 : memref<128xf32, #tpu.memory_space<vmem>>)
    %dma_wait3A_63 = arith.constant 0 : i32
    %dma_wait3A_64 = tpu.memref_slice %arg11[%dma_wait3A_63] : memref<512xf32, #tpu.memory_space<vmem>> -> memref<128xf32, #tpu.memory_space<vmem>>
    %dma_wait3A_65 = arith.constant 0 : i32
    %dma_wait3A_66 = tpu.memref_slice %arg9[%dma_wait3A_65] : memref<512xi32, #tpu.memory_space<vmem>> -> memref<128xi32, #tpu.memory_space<vmem>>
    %dma_wait3A_67 = arith.constant 0 : i32
    %dma_wait3A_68 = tpu.memref_slice %arg5[%dma_wait3A_67] : memref<1000000xf32, #tpu.memory_space<hbm>> -> memref<1000000xf32, #tpu.memory_space<hbm>>
    tpu.wait_indirect_dma semaphore(%arg14 : memref<!tpu.dma_semaphore, #tpu.memory_space<semaphore_mem>>) src(%dma_wait3A_68 : memref<1000000xf32, #tpu.memory_space<hbm>>) dst(%dma_wait3A_64 : memref<128xf32, #tpu.memory_space<vmem>>)
    %dma_wait3A_69 = arith.constant 128 : i32
    %dma_wait3A_70 = tpu.memref_slice %arg10[%dma_wait3A_69] : memref<512xf32, #tpu.memory_space<vmem>> -> memref<128xf32, #tpu.memory_space<vmem>>
    %dma_wait3A_71 = arith.constant 128 : i32
    %dma_wait3A_72 = tpu.memref_slice %arg8[%dma_wait3A_71] : memref<512xi32, #tpu.memory_space<vmem>> -> memref<128xi32, #tpu.memory_space<vmem>>
    %dma_wait3A_73 = arith.constant 0 : i32
    %dma_wait3A_74 = tpu.memref_slice %arg4[%dma_wait3A_73] : memref<1000000xf32, #tpu.memory_space<hbm>> -> memref<1000000xf32, #tpu.memory_space<hbm>>
    tpu.wait_indirect_dma semaphore(%arg14 : memref<!tpu.dma_semaphore, #tpu.memory_space<semaphore_mem>>) src(%dma_wait3A_74 : memref<1000000xf32, #tpu.memory_space<hbm>>) dst(%dma_wait3A_70 : memref<128xf32, #tpu.memory_space<vmem>>)
    %dma_wait3A_75 = arith.constant 128 : i32
    %dma_wait3A_76 = tpu.memref_slice %arg11[%dma_wait3A_75] : memref<512xf32, #tpu.memory_space<vmem>> -> memref<128xf32, #tpu.memory_space<vmem>>
    %dma_wait3A_77 = arith.constant 128 : i32
    %dma_wait3A_78 = tpu.memref_slice %arg9[%dma_wait3A_77] : memref<512xi32, #tpu.memory_space<vmem>> -> memref<128xi32, #tpu.memory_space<vmem>>
    %dma_wait3A_79 = arith.constant 0 : i32
    %dma_wait3A_80 = tpu.memref_slice %arg5[%dma_wait3A_79] : memref<1000000xf32, #tpu.memory_space<hbm>> -> memref<1000000xf32, #tpu.memory_space<hbm>>
    tpu.wait_indirect_dma semaphore(%arg14 : memref<!tpu.dma_semaphore, #tpu.memory_space<semaphore_mem>>) src(%dma_wait3A_80 : memref<1000000xf32, #tpu.memory_space<hbm>>) dst(%dma_wait3A_76 : memref<128xf32, #tpu.memory_space<vmem>>)
    %dma_wait3A_81 = arith.constant 256 : i32
    %dma_wait3A_82 = tpu.memref_slice %arg10[%dma_wait3A_81] : memref<512xf32, #tpu.memory_space<vmem>> -> memref<128xf32, #tpu.memory_space<vmem>>
    %dma_wait3A_83 = arith.constant 256 : i32
    %dma_wait3A_84 = tpu.memref_slice %arg8[%dma_wait3A_83] : memref<512xi32, #tpu.memory_space<vmem>> -> memref<128xi32, #tpu.memory_space<vmem>>
    %dma_wait3A_85 = arith.constant 0 : i32
    %dma_wait3A_86 = tpu.memref_slice %arg4[%dma_wait3A_85] : memref<1000000xf32, #tpu.memory_space<hbm>> -> memref<1000000xf32, #tpu.memory_space<hbm>>
    tpu.wait_indirect_dma semaphore(%arg14 : memref<!tpu.dma_semaphore, #tpu.memory_space<semaphore_mem>>) src(%dma_wait3A_86 : memref<1000000xf32, #tpu.memory_space<hbm>>) dst(%dma_wait3A_82 : memref<128xf32, #tpu.memory_space<vmem>>)
    %dma_wait3A_87 = arith.constant 256 : i32
    %dma_wait3A_88 = tpu.memref_slice %arg11[%dma_wait3A_87] : memref<512xf32, #tpu.memory_space<vmem>> -> memref<128xf32, #tpu.memory_space<vmem>>
    %dma_wait3A_89 = arith.constant 256 : i32
    %dma_wait3A_90 = tpu.memref_slice %arg9[%dma_wait3A_89] : memref<512xi32, #tpu.memory_space<vmem>> -> memref<128xi32, #tpu.memory_space<vmem>>
    %dma_wait3A_91 = arith.constant 0 : i32
    %dma_wait3A_92 = tpu.memref_slice %arg5[%dma_wait3A_91] : memref<1000000xf32, #tpu.memory_space<hbm>> -> memref<1000000xf32, #tpu.memory_space<hbm>>
    tpu.wait_indirect_dma semaphore(%arg14 : memref<!tpu.dma_semaphore, #tpu.memory_space<semaphore_mem>>) src(%dma_wait3A_92 : memref<1000000xf32, #tpu.memory_space<hbm>>) dst(%dma_wait3A_88 : memref<128xf32, #tpu.memory_space<vmem>>)
    %dma_wait3A_93 = arith.constant 384 : i32
    %dma_wait3A_94 = tpu.memref_slice %arg10[%dma_wait3A_93] : memref<512xf32, #tpu.memory_space<vmem>> -> memref<128xf32, #tpu.memory_space<vmem>>
    %dma_wait3A_95 = arith.constant 384 : i32
    %dma_wait3A_96 = tpu.memref_slice %arg8[%dma_wait3A_95] : memref<512xi32, #tpu.memory_space<vmem>> -> memref<128xi32, #tpu.memory_space<vmem>>
    %dma_wait3A_97 = arith.constant 0 : i32
    %dma_wait3A_98 = tpu.memref_slice %arg4[%dma_wait3A_97] : memref<1000000xf32, #tpu.memory_space<hbm>> -> memref<1000000xf32, #tpu.memory_space<hbm>>
    tpu.wait_indirect_dma semaphore(%arg14 : memref<!tpu.dma_semaphore, #tpu.memory_space<semaphore_mem>>) src(%dma_wait3A_98 : memref<1000000xf32, #tpu.memory_space<hbm>>) dst(%dma_wait3A_94 : memref<128xf32, #tpu.memory_space<vmem>>)
    %dma_wait3A_99 = arith.constant 384 : i32
    %dma_wait3A_100 = tpu.memref_slice %arg11[%dma_wait3A_99] : memref<512xf32, #tpu.memory_space<vmem>> -> memref<128xf32, #tpu.memory_space<vmem>>
    %dma_wait3A_101 = arith.constant 384 : i32
    %dma_wait3A_102 = tpu.memref_slice %arg9[%dma_wait3A_101] : memref<512xi32, #tpu.memory_space<vmem>> -> memref<128xi32, #tpu.memory_space<vmem>>
    %dma_wait3A_103 = arith.constant 0 : i32
    %dma_wait3A_104 = tpu.memref_slice %arg5[%dma_wait3A_103] : memref<1000000xf32, #tpu.memory_space<hbm>> -> memref<1000000xf32, #tpu.memory_space<hbm>>
    tpu.wait_indirect_dma semaphore(%arg14 : memref<!tpu.dma_semaphore, #tpu.memory_space<semaphore_mem>>) src(%dma_wait3A_104 : memref<1000000xf32, #tpu.memory_space<hbm>>) dst(%dma_wait3A_100 : memref<128xf32, #tpu.memory_space<vmem>>)
    %get3A = arith.constant 0 : index
    %get3A_105 = tpu.vector_load %arg12[%get3A] {strides = array<i32>} : memref<16xf32, #tpu.memory_space<vmem>>, vector<16xf32>,
    %scan3A = arith.constant 0 : i32
    %scan3A_106 = arith.constant 0 : i32
    %scan3A_107 = arith.constant 32 : i32
    %scan3A_108 = arith.addi %scan3A_106, %scan3A_107 : i32
    %scan3A_109 = arith.constant 1 : i32
    scf.for %scan3A_111 = %scan3A_106 to %scan3A_108 step %scan3A_109  : i32 {
      %mul3A_112 = arith.constant 16 : i32
      %mul3A_113 = arith.muli %scan3A_111, %mul3A_112 : i32
      %get3A_114 = arith.index_cast %mul3A_113 : i32 to index
      %get3A_115 = tpu.vector_load %arg10[%get3A_114] {strides = array<i32>} : memref<512xf32, #tpu.memory_space<vmem>>, vector<16xf32>,
      %get3A_116 = arith.index_cast %mul3A_113 : i32 to index
      %get3A_117 = tpu.vector_load %arg11[%get3A_116] {strides = array<i32>} : memref<512xf32, #tpu.memory_space<vmem>>, vector<16xf32>,
      %add3A_118 = arith.addf %get3A_115, %get3A_117 : vector<16xf32>
      %add3A_119 = arith.addf %add3A_118, %get3A_105 : vector<16xf32>
      %neg3A = arith.constant 0.000000e+00 : f32
      %neg3A_120 = vector.broadcast %neg3A : f32 to vector<16xf32>
      %neg3A_121 = arith.subf %neg3A_120, %add3A_119 : vector<16xf32>
      %exp3A = math.exp %neg3A_121 : vector<16xf32>
      %add3A_122 = arith.constant 1.000000e+00 : f32
      %add3A_123 = vector.broadcast %add3A_122 : f32 to vector<16xf32>
      %add3A_124 = arith.addf %add3A_123, %exp3A : vector<16xf32>
      %div3A = arith.constant 1.000000e+00 : f32
      %div3A_125 = vector.broadcast %div3A : f32 to vector<16xf32>
      %div3A_126 = arith.divf %div3A_125, %add3A_124 : vector<16xf32>
      %swap3A = arith.index_cast %mul3A_113 : i32 to index
      %swap3A_127 = tpu.vector_load %arg13[%swap3A] {strides = array<i32>} : memref<512xf32, #tpu.memory_space<vmem>>, vector<16xf32>,
      tpu.vector_store %arg13[%swap3A], %div3A_126 {strides = array<i32>} : memref<512xf32, #tpu.memory_space<vmem>>, vector<16xf32>,
    }
    %scan3A_110 = arith.constant 32 : i32
    "tpu.region"() ({
      %run_scoped3A = tpu.sem_alloc : memref<!tpu.dma_semaphore, #tpu.memory_space<semaphore_mem>>
      %dma_start3A_111 = tpu.memref_slice %arg7[%mul3A_2] : memref<16384xf32, #tpu.memory_space<hbm>> -> memref<512xf32, #tpu.memory_space<hbm>>
      %dma_start3A_112 = tpu.memref_slice %arg7[%mul3A_2] : memref<16384xf32, #tpu.memory_space<hbm>> -> memref<512xf32, #tpu.memory_space<hbm>>
      tpu.enqueue_dma source(%arg13 : memref<512xf32, #tpu.memory_space<vmem>>) target(%dma_start3A_112 : memref<512xf32, #tpu.memory_space<hbm>>) target_semaphore(%run_scoped3A : memref<!tpu.dma_semaphore, #tpu.memory_space<semaphore_mem>>)
      %dma_wait3A_113 = tpu.memref_slice %arg7[%mul3A_2] : memref<16384xf32, #tpu.memory_space<hbm>> -> memref<512xf32, #tpu.memory_space<hbm>>
      %dma_wait3A_114 = tpu.memref_slice %arg7[%mul3A_2] : memref<16384xf32, #tpu.memory_space<hbm>> -> memref<512xf32, #tpu.memory_space<hbm>>
      tpu.wait_dma2 semaphore(%run_scoped3A : memref<!tpu.dma_semaphore, #tpu.memory_space<semaphore_mem>>) src(%arg13 : memref<512xf32, #tpu.memory_space<vmem>>) dst(%dma_wait3A_114 : memref<512xf32, #tpu.memory_space<hbm>>)
      tpu.yield
    }) : () -> ()
    return
  }
}

module attributes {stable_mosaic.version = 14 : i64} {
  func.func @_fold_body(%arg0: memref<128x64xf32, #tpu.memory_space<vmem>>, %arg1: memref<1x64xf32, #tpu.memory_space<vmem>>, %arg2: memref<64x64xf32, #tpu.memory_space<vmem>>, %arg3: memref<1x64xf32, #tpu.memory_space<vmem>>, %arg4: memref<64x1xf32, #tpu.memory_space<vmem>>, %arg5: memref<1x1xf32, #tpu.memory_space<vmem>>, %arg6: memref<128x1xf32, #tpu.memory_space<vmem>>, %arg7: memref<1x1xf32, #tpu.memory_space<vmem>>) attributes {dimension_semantics = [], scalar_prefetch = 0 : i64, scratch_operands = 0 : i64, tpu.core_type = #tpu.core_type<tc>} {
    %get3A = arith.constant 0 : index
    %get3A_0 = arith.constant 0 : index
    %get3A_1 = vector.load %arg2[%get3A, %get3A_0] : memref<64x64xf32, #tpu.memory_space<vmem>>, vector<64x64xf32>
    %get3A_2 = arith.constant 0 : index
    %get3A_3 = arith.constant 0 : index
    %get3A_4 = vector.load %arg4[%get3A_2, %get3A_3] : memref<64x1xf32, #tpu.memory_space<vmem>>, vector<64x1xf32>
    %dot_general3A = arith.constant dense<0.000000e+00> : vector<64x1xf32>
    %dot_general3A_5 = tpu.matmul %get3A_1, %get3A_4, %dot_general3A {dimension_numbers = #tpu.dot_dimension_numbers<[1], [0], [0], [1], [0, 0, 1, 1], [], []>, transpose_lhs_hint = false} : vector<64x64xf32>, vector<64x1xf32>, vector<64x1xf32> -> vector<64x1xf32>
    %get3A_6 = arith.constant 0 : index
    %get3A_7 = arith.constant 0 : index
    %get3A_8 = vector.load %arg0[%get3A_6, %get3A_7] : memref<128x64xf32, #tpu.memory_space<vmem>>, vector<128x64xf32>
    %dot_general3A_9 = arith.constant dense<0.000000e+00> : vector<128x1xf32>
    %dot_general3A_10 = tpu.matmul %get3A_8, %dot_general3A_5, %dot_general3A_9 {dimension_numbers = #tpu.dot_dimension_numbers<[1], [0], [0], [1], [0, 0, 1, 1], [], []>, transpose_lhs_hint = false} : vector<128x64xf32>, vector<64x1xf32>, vector<128x1xf32> -> vector<128x1xf32>
    %swap3A = arith.constant 0 : index
    %swap3A_11 = arith.constant 0 : index
    %swap3A_12 = vector.load %arg6[%swap3A, %swap3A_11] : memref<128x1xf32, #tpu.memory_space<vmem>>, vector<128x1xf32>
    tpu.vector_store %arg6[%swap3A, %swap3A_11], %dot_general3A_10 {strides = array<i32>} : memref<128x1xf32, #tpu.memory_space<vmem>>, vector<128x1xf32>,
    %get3A_13 = arith.constant 0 : index
    %get3A_14 = arith.constant 0 : index
    %get3A_15 = vector.load %arg1[%get3A_13, %get3A_14] : memref<1x64xf32, #tpu.memory_space<vmem>>, vector<1x64xf32>
    %dot_general3A_16 = arith.constant dense<0.000000e+00> : vector<1x1xf32>
    %dot_general3A_17 = tpu.matmul %get3A_15, %dot_general3A_5, %dot_general3A_16 {dimension_numbers = #tpu.dot_dimension_numbers<[1], [0], [0], [1], [0, 0, 1, 1], [], []>, transpose_lhs_hint = false} : vector<1x64xf32>, vector<64x1xf32>, vector<1x1xf32> -> vector<1x1xf32>
    %get3A_18 = arith.constant 0 : index
    %get3A_19 = arith.constant 0 : index
    %get3A_20 = vector.load %arg3[%get3A_18, %get3A_19] : memref<1x64xf32, #tpu.memory_space<vmem>>, vector<1x64xf32>
    %dot_general3A_21 = arith.constant dense<0.000000e+00> : vector<1x1xf32>
    %dot_general3A_22 = tpu.matmul %get3A_20, %get3A_4, %dot_general3A_21 {dimension_numbers = #tpu.dot_dimension_numbers<[1], [0], [0], [1], [0, 0, 1, 1], [], []>, transpose_lhs_hint = false} : vector<1x64xf32>, vector<64x1xf32>, vector<1x1xf32> -> vector<1x1xf32>
    %add3A = arith.addf %dot_general3A_17, %dot_general3A_22 : vector<1x1xf32>
    %get3A_23 = arith.constant 0 : index
    %get3A_24 = arith.constant 0 : index
    %get3A_25 = vector.load %arg5[%get3A_23, %get3A_24] : memref<1x1xf32, #tpu.memory_space<vmem>>, vector<1x1xf32>
    %add3A_26 = arith.addf %add3A, %get3A_25 : vector<1x1xf32>
    %swap3A_27 = arith.constant 0 : index
    %swap3A_28 = arith.constant 0 : index
    %swap3A_29 = vector.load %arg7[%swap3A_27, %swap3A_28] : memref<1x1xf32, #tpu.memory_space<vmem>>, vector<1x1xf32>
    tpu.vector_store %arg7[%swap3A_27, %swap3A_28], %add3A_26 {strides = array<i32>} : memref<1x1xf32, #tpu.memory_space<vmem>>, vector<1x1xf32>,
    return
  }
}

module attributes {stable_mosaic.version = 14 : i64} {
  func.func @_proj_body(%arg0: i32, %arg1: memref<1x128xf32, #tpu.memory_space<vmem>>, %arg2: memref<64x16384xf32, #tpu.memory_space<vmem>>, %arg3: memref<64x16384xf32, #tpu.memory_space<vmem>>, %arg4: memref<16384xf32, #tpu.memory_space<vmem>>, %arg5: memref<16384xf32, #tpu.memory_space<vmem>>) attributes {dimension_semantics = [#tpu.dimension_semantics<arbitrary>], iteration_bounds = array<i64: 62>, scalar_prefetch = 0 : i64, scratch_operands = 0 : i64, tpu.core_type = #tpu.core_type<tc>, window_params = [{pipeline_mode = #tpu.pipeline_mode<synchronous>, transform_indices = @transform_0, window_bounds = array<i64: 1, 128>}, {transform_indices = @transform_1, window_bounds = array<i64: 64, 16384>}, {transform_indices = @transform_2, window_bounds = array<i64: 64, 16384>}, {transform_indices = @transform_3, window_bounds = array<i64: 16384>}, {transform_indices = @transform_4, window_bounds = array<i64: 16384>}]} {
    %get3A = arith.constant 0 : index
    %get3A_0 = arith.constant 0 : index
    %get3A_1 = vector.load %arg1[%get3A, %get3A_0] : memref<1x128xf32, #tpu.memory_space<vmem>>, vector<1x128xf32>
    %slice3A = vector.extract_strided_slice %get3A_1 {offsets = [0, 0], sizes = [1, 64], strides = [1, 1]} : vector<1x128xf32> to vector<1x64xf32>
    %slice3A_2 = vector.extract_strided_slice %get3A_1 {offsets = [0, 64], sizes = [1, 64], strides = [1, 1]} : vector<1x128xf32> to vector<1x64xf32>
    %get3A_3 = arith.constant 0 : index
    %get3A_4 = arith.constant 0 : index
    %get3A_5 = vector.load %arg2[%get3A_3, %get3A_4] : memref<64x16384xf32, #tpu.memory_space<vmem>>, vector<64x16384xf32>
    %dot_general3A = arith.constant dense<0.000000e+00> : vector<1x16384xf32>
    %dot_general3A_6 = tpu.matmul %slice3A, %get3A_5, %dot_general3A {dimension_numbers = #tpu.dot_dimension_numbers<[1], [0], [0], [1], [0, 0, 1, 1], [], []>, transpose_lhs_hint = false} : vector<1x64xf32>, vector<64x16384xf32>, vector<1x16384xf32> -> vector<1x16384xf32>
    %squeeze3A = vector.shape_cast %dot_general3A_6 : vector<1x16384xf32> to vector<16384xf32>
    %swap3A = arith.constant 0 : index
    %swap3A_7 = vector.load %arg4[%swap3A] : memref<16384xf32, #tpu.memory_space<vmem>>, vector<16384xf32>
    tpu.vector_store %arg4[%swap3A], %squeeze3A {strides = array<i32>} : memref<16384xf32, #tpu.memory_space<vmem>>, vector<16384xf32>,
    %get3A_8 = arith.constant 0 : index
    %get3A_9 = arith.constant 0 : index
    %get3A_10 = vector.load %arg3[%get3A_8, %get3A_9] : memref<64x16384xf32, #tpu.memory_space<vmem>>, vector<64x16384xf32>
    %dot_general3A_11 = arith.constant dense<0.000000e+00> : vector<1x16384xf32>
    %dot_general3A_12 = tpu.matmul %slice3A_2, %get3A_10, %dot_general3A_11 {dimension_numbers = #tpu.dot_dimension_numbers<[1], [0], [0], [1], [0, 0, 1, 1], [], []>, transpose_lhs_hint = false} : vector<1x64xf32>, vector<64x16384xf32>, vector<1x16384xf32> -> vector<1x16384xf32>
    %squeeze3A_13 = vector.shape_cast %dot_general3A_12 : vector<1x16384xf32> to vector<16384xf32>
    %swap3A_14 = arith.constant 0 : index
    %swap3A_15 = vector.load %arg5[%swap3A_14] : memref<16384xf32, #tpu.memory_space<vmem>>, vector<16384xf32>
    tpu.vector_store %arg5[%swap3A_14], %squeeze3A_13 {strides = array<i32>} : memref<16384xf32, #tpu.memory_space<vmem>>, vector<16384xf32>,
    return
  }
  func.func @transform_0(%arg0: i32) -> (i32, i32) {
    %c0_i32 = arith.constant 0 : i32
    %c0_i32_0 = arith.constant 0 : i32
    %c0_i32_1 = arith.constant 0 : i32
    return %c0_i32, %c0_i32_0 : i32, i32
  }
  func.func @transform_1(%arg0: i32) -> (i32, i32) {
    %c0_i32 = arith.constant 0 : i32
    %c0_i32_0 = arith.constant 0 : i32
    return %c0_i32, %arg0 : i32, i32
  }
  func.func @transform_2(%arg0: i32) -> (i32, i32) {
    %c0_i32 = arith.constant 0 : i32
    %c0_i32_0 = arith.constant 0 : i32
    return %c0_i32, %arg0 : i32, i32
  }
  func.func @transform_3(%arg0: i32) -> i32 {
    %c0_i32 = arith.constant 0 : i32
    return %arg0 : i32
  }
  func.func @transform_4(%arg0: i32) -> i32 {
    %c0_i32 = arith.constant 0 : i32
    return %arg0 : i32
  }
}

</mosaic_0001>

<sc_bundles>
// kernel: kernel.5.cloned.1.call-start
scs
__scs_entry_jumppad:
0x0: {  	(pc) =	sbr.rel $0x88, $3  }
0x1: {  	(tag) =	ssettag $0x0;
	lr =	simm.s32 $0x1  }
0x2: {  	[smem:$0x3F98] =	sst lr;
	_ =	strace $0xD0000000  }
0x3: {  	_ = 	snop  }
0x4: {  	_ = 	snop  }
0x5: {  	_ = 	snop  }
0x6: {  	_ = 	snop  }
0x7: {  	_ = 	snop  }
__scs_overlays_trampoline_lowered:
0x8: {  	[smem:$0x3FA7] =	sst s0  }
0x9: {  	[smem:$0x3FA8] =	sst s1  }
0xa: {  	[smem:$0x3FA9] =	sst s2  }
0xb: {  	[smem:$0x3FAA] =	sst s3  }
0xc: {  	[smem:$0x3FAB] =	sst s4  }
0xd: {  	[smem:$0x3FAC] =	sst s5  }
0xe: {  	[smem:$0x3FAD] =	sst s6  }
0xf: {  	[smem:$0x3FAE] =	sst s7  }
0x10: {  	[smem:$0x3FAF] =	sst s8  }
0x11: {  	[smem:$0x3FB0] =	sst s9;
	s0 =	simm.s32 @!p0 $0x0  }
0x12: {  	s1 =	sld [smem:$0x3F96];
	s0 =	simm.s32 @p0 $0x1  }
0x13: {  	[smem:$0x3FB1] =	sst s0;
	s0 =	simm.s32 @!p1 $0x0  }
0x14: {  	s2 =	sld [smem:$0x3F95];
	s0 =	simm.s32 @p1 $0x1  }
0x15: {  	[smem:$0x3FB2] =	sst s0;
	s0 =	simm.s32 @!p2 $0x0  }
0x16: {  	s3 =	sld [smem:$0x3FDB];
	s0 =	simm.s32 @p2 $0x1  }
0x17: {  	s4 =	simm.s32 $0x1BF5;
	[smem:$0x3FB4] =	sst s0  }
0x18: {  	s0 =	sld [smem:$0x3F97];
	_ =	swait.ge [sflag:s4], $0x0  }
0x19: {  	s7 =	sld [smem:$0x3F98]  }
0x1a: {  	s8 =	sadd.s32 $0xFFFFE003, lr  }
0x1b: {  	s9 =	sadd.s32 $0xFFFFFEF7, lr;
	s5 =	simm.s32 $0xFFFFFFFF;
	p2 =	slt.u32 s8, $0xFFFFF086  }
0x1c: {  	p1 =	slt.u32 s9, $0xF7A;
	s5 =	simm.s32 @!p2 $0x0  }
0x1d: {  	s5 =	simm.s32 @p1 $0x1;
	p0 =	seq.s32 s7, s2  }
0x1e: {  	s7 =	smul.u32 @!p0 $0xF7A, s2;
	p2 =	seq.s32 @!p0 s5, $0x0  }
0x1f: {  	s9 =	smul.u32 $0xF7A, s1;
	s8 =	simm.s32 @!p0 $0x1BF5;
	p2 =	por !p2, p0  }
0x20: {  	[sflag:s8] =	ssyncset.s32 @!p0 $0xFFFFF086;
	s6 =	sadd.s32 @!p0 s3, s7;
	s7 =	simm.s32 @!p0 $0x108  }
0x21: {  	s3 =	sadd.s32 s3, s9;
	s6 =	sadd.s32 @!p0 $0x88, s6;
	s7 =	simm.s32 @p2 $0x1082  }
0x22: {  	[simem:s7], [sflag:s8] =	dma.local @!p0 [hbm:s6], $0xF7A  }
0x23: {  	s9 =	sor.u32 $0xD0000000, s2;
	s6 =	simm.s32 $0x108;
	_ =	swait.ge @!p0 [sflag:s8], $0x0  }
0x24: {  	s3 =	sadd.s32 $0x88, s3;
	s6 =	simm.s32 @!p1 $0x1082;
	[sflag:s4] =	ssyncset.s32 $0xFFFFF086  }
0x25: {  	[simem:s6], [sflag:s4] =	dma.local [hbm:s3], $0xF7A  }
0x26: {  	[smem:$0x3F98] =	sst s1;
	(tag) =	ssettag s2;
	_ =	strace s9  }
0x27: {  	s1 =	sld [smem:$0x3FA8]  }
0x28: {  	s2 =	sld [smem:$0x3FA9]  }
0x29: {  	s4 =	sld [smem:$0x3FAB]  }
0x2a: {  	p0 =	seq.s32 s5, $0x0;
	s5 =	sld [smem:$0x3FAC]  }
0x2b: {  	s6 =	sld [smem:$0x3FAD]  }
0x2c: {  	s7 =	sld [smem:$0x3FAE]  }
0x2d: {  	s3 =	simm.s32 $0x108;
	s8 =	sld [smem:$0x3FAF]  }
0x2e: {  	s3 =	simm.s32 @!p0 $0x1082;
	s9 =	sld [smem:$0x3FB0]  }
0x2f: {  	lr =	sadd.s32 s0, s3;
	s0 =	sld [smem:$0x3FA7]  }
0x30: {  	s3 =	sld [smem:$0x3FAA]  }
0x31: {  	[smem:$0x3FB3] =	sst s10  }
0x32: {  	s10 =	sld [smem:$0x3FB1];
	_ =	sdelay $0x3  }
0x33: {  	p0 =	seq.s32 s10, $0x1;
	s10 =	sld [smem:$0x3FB3];
	_ =	sdelay $0x3  }
0x34: {  	[smem:$0x3FB3] =	sst s10  }
0x35: {  	s10 =	sld [smem:$0x3FB2];
	_ =	sdelay $0x3  }
0x36: {  	p1 =	seq.s32 s10, $0x1;
	s10 =	sld [smem:$0x3FB3];
	_ =	sdelay $0x3  }
0x37: {  	[smem:$0x3FB3] =	sst s10  }
0x38: {  	s10 =	sld [smem:$0x3FB4]  }
0x39: {  	_ = 	snop;
	(pc) =	sbr.ind lr, $3  }
0x3a: {  	_ = 	snop  }
0x3b: {  	_ = 	snop  }
0x3c: {  	p2 =	seq.s32 s10, $0x1;
	s10 =	sld [smem:$0x3FB3]  }
0x3d: {  	_ =	shalt  }
0x3e: {  	_ =	shalt  }
0x3f: {  	_ =	shalt  }
0x40: {  	_ =	shalt  }
0x41: {  	_ =	shalt  }
0x42: {  	_ =	shalt  }
0x43: {  	_ =	shalt  }
0x44: {  	_ =	shalt  }
0x45: {  	_ =	shalt  }
0x46: {  	_ =	shalt  }
0x47: {  	_ =	shalt  }
0x48: {  	_ =	shalt  }
0x49: {  	_ =	shalt  }
0x4a: {  	_ =	shalt  }
0x4b: {  	_ =	shalt  }
0x4c: {  	_ =	shalt  }
0x4d: {  	_ =	shalt  }
0x4e: {  	_ =	shalt  }
0x4f: {  	_ =	shalt  }
0x50: {  	_ =	shalt  }
0x51: {  	_ =	shalt  }
0x52: {  	_ =	shalt  }
0x53: {  	_ =	shalt  }
0x54: {  	_ =	shalt  }
0x55: {  	_ =	shalt  }
0x56: {  	_ =	shalt  }
0x57: {  	_ =	shalt  }
0x58: {  	_ =	shalt  }
0x59: {  	_ =	shalt  }
0x5a: {  	_ =	shalt  }
0x5b: {  	_ =	shalt  }
0x5c: {  	_ =	shalt  }
0x5d: {  	_ =	shalt  }
0x5e: {  	_ =	shalt  }
0x5f: {  	_ =	shalt  }
0x60: {  	_ =	shalt  }
0x61: {  	_ =	shalt  }
0x62: {  	_ =	shalt  }
0x63: {  	_ =	shalt  }
0x64: {  	_ =	shalt  }
0x65: {  	_ =	shalt  }
0x66: {  	_ =	shalt  }
0x67: {  	_ =	shalt  }
0x68: {  	_ =	shalt  }
0x69: {  	_ =	shalt  }
0x6a: {  	_ =	shalt  }
0x6b: {  	_ =	shalt  }
0x6c: {  	_ =	shalt  }
0x6d: {  	_ =	shalt  }
0x6e: {  	_ =	shalt  }
0x6f: {  	_ =	shalt  }
0x70: {  	_ =	shalt  }
0x71: {  	_ =	shalt  }
0x72: {  	_ =	shalt  }
0x73: {  	_ =	shalt  }
0x74: {  	_ =	shalt  }
0x75: {  	_ =	shalt  }
0x76: {  	_ =	shalt  }
0x77: {  	_ =	shalt  }
0x78: {  	_ =	shalt  }
0x79: {  	_ =	shalt  }
0x7a: {  	_ =	shalt  }
0x7b: {  	_ =	shalt  }
0x7c: {  	_ =	shalt  }
0x7d: {  	_ =	shalt  }
0x7e: {  	_ =	shalt  }
0x7f: {  	_ =	shalt  }
0x80: {  	_ =	shalt  }
0x81: {  	_ =	shalt  }
0x82: {  	_ =	shalt  }
0x83: {  	_ =	shalt  }
0x84: {  	_ =	shalt  }
0x85: {  	_ =	shalt  }
0x86: {  	_ =	shalt  }
0x87: {  	_ =	shalt  }
.Lfunc_end0:
.L_simem_size_0:
called_computation_lowered:
.L_overlay_start_0:
0x88: {  	s2 =	sld [smem:$0x3FD9]  }
0x89: {  	s3 =	sld [smem:$0x3FFE];
	_ =	sdelay $0x1  }
0x8a: {  	s1 =	srdreg.scid  }
0x8b: {  	s0 =	sand.u32 $0x1, s1  }
0x8c: {  	s17 =	sshll.u32 s0, $0xA;
	s2 =	sadd.s32 s3, s2  }
0x8d: {  	s2 =	sadd.s32 s2, s17  }
0x8e: {  	[smem:$0x3FBF] =	sst s2  }
0x8f: {  	_ = 	snop  }
0x90: {  	s2 =	sld [smem:$0x3FD0];
	(tm) =	ssettm $0x1  }
0x91: {  	s18 =	sld [smem:$0x3FFB];
	_ =	sdelay $0x3  }
0x92: {  	_ =	strace s18  }
0x93: {  	s3 =	sld [smem:$0x3FFC];
	_ =	sdelay $0x3  }
0x94: {  	_ =	strace s3  }
0x95: {  	s3 =	sld [smem:$0x3FFD];
	_ =	sdelay $0x3  }
0x96: {  	_ =	strace s3  }
0x97: {  	_ =	strace $0x8FFFFFFF  }
0x98: {  	s19 =	sld [smem:$0x3FDB];
	_ =	sdelay $0x1  }
0x99: {  	s4 =	simm.s32 $_scs_section_size  }
0x9a: {  	s5 =	simm.s32 $_size__tile_overlayer_lowered;
	s6 =	simm.s32 $_tile_overlayer_lowered  }
0x9b: {  	s22 =	simm.s32 $0x1BFF;
	s21 =	sshll.u32 s6, $0x1;
	s3 =	sadd.s32 s4, s19  }
0x9c: {  	s7 =	simm.s32 $0x0;
	s20 =	sshll.u32 s5, $0x1;
	s5 =	sadd.s32 s21, s3  }
0x9d: {  	[timem:s7], [sflag:s22] =	dma.local [hbm:s5], s20  }
0x9e: {  	_ =	swait.ge [sflag:s22], s20  }
0x9f: {  	s4 =	ssub.s32 $0x0, s20;
	[sflag:s22] =	ssyncset.done $0x0  }
0xa0: {  	[sflag:s22] =	ssyncadd.s32 s4;
	_ =	sdelay $0x1  }
0xa1: {  	s23 =	simm.s32 $0x1B8B  }
0xa2: {  	_ =	swait.ge [sflag:s23], $0x1  }
0xa3: {  	[sflag:s23] =	ssyncset.done $0x0  }
0xa4: {  	s25 =	simm.s32 $0x1B8E;
	s24 =	sld [smem:$0x3FFE];
	[sflag:s23] =	ssyncadd.s32 $0xFFFFFFFF  }
0xa5: {  	s26 =	simm.s32 $execute0_lowered;
	[smem:$0x3FD2] =	sst s25  }
0xa6: {  	s5 =	sshll.u32 s26, $0x1;
	_ =	strace $0x80000046;
	[dreg:$0x1] =	wrdreg $0xFFFFFFFF  }
0xa7: {  	s28 =	simm.s32 $_size_execute0_lowered;
	s3 =	sadd.s32 s3, s5;
	[dreg:$0x0] =	wrdreg $0x0  }
0xa8: {  	s5 =	sshll.u32 s28, $0x1;
	[dreg:$0x2] =	wrdreg s3  }
0xa9: {  	[dreg:$0x3] =	wrdreg s5  }
0xaa: {  	[dreg:$0x4] =	wrdreg $0xC0  }
0xab: {  	_ =	task [dreg:s7], $0x5FFFF  }
0xac: {  	[dreg:$0x1] =	wrdreg $0xFFFFFFFF  }
0xad: {  	[dreg:$0x0] =	wrdreg $0x60  }
0xae: {  	[dreg:$0x2] =	wrdreg s24  }
0xaf: {  	[dreg:$0x3] =	wrdreg s2  }
0xb0: {  	[dreg:$0x4] =	wrdreg $0x9  }
0xb1: {  	_ =	task.clear_ibuf [dreg:s7], $0x5FFFF;
	_ =	strace $0x90000046  }
0xb2: {  	s29 =	simm.s32 $0x9;
	_ =	strace $0x80000048  }
0xb3: {  	_ =	swait.ge [sflag:s29], $0x1  }
0xb4: {  	[sflag:s29] =	ssyncadd.s32 $0xFFFFFFFF  }
0xb5: {  	_ =	strace $0x90000048  }
0xb6: {  	_ =	sfence  }
0xb7: {  	s30 =	sld [smem:$0x0];
	_ =	sdelay $0x2  }
0xb8: {  	s31 =	sshll.u32 s1, $0xD;
	s1 =	sshrl.u32 s1, $0x2  }
0xb9: {  	s3 =	sand.u32 $0x4000, s31;
	s1 =	sadd.s32 s1, s30  }
0xba: {  	s0 =	sor.u32 s3, s0;
	s1 =	sshll.u32 s1, $0x11  }
0xbb: {  	s0 =	sor.u32 s1, s0  }
0xbc: {  	s0 =	sadd.s32 $0x8F2B, s0  }
0xbd: {  	[sflag:s0] =	ssyncadd.remote.s32 $0x1  }
0xbe: {  	_ =	sfence.sel $0xFFFF  }
0xbf: {  	[dreg:$0x0] =	wrdreg $0xFFFFFFFF;
	(pc) =	sbr.abs _section_cstart, $3  }
0xc0: {  	[dreg:$0x1] =	wrdreg $0xFFFFFFFF  }
0xc1: {  	_ =	task.clear_ibuf [dreg:s7], $0x2FFFF;
	_ =	strace $0x9FFFFFFF  }
0xc2: {  	(tm) =	ssettm $0x7FFFFFFF  }
0xc3: {  	_ =	shalt  }
tec
execute0_lowered:
.L_overlay_start_1:
0x0: {  	(tag) =	ssettag $0x1  }
0x1: {  	s0 =	rddreg [dreg:$0x0]  }
0x2: {  	s1 =	rddreg [dreg:$0x1];
	s3 =	srdreg.scid;
	s2 =	simm.s32 $0x0  }
0x3: {  	s4 =	stileid.u32;
	s10 =	simm.s32 $0x200;
	s11 =	simm.s32 $0x1  }
0x4: {  	s12 =	simm.s32 $0x80;
	s18 =	simm.s32 $0x100;
	s19 =	simm.s32 $0x500  }
0x5: {  	s20 =	simm.s32 $0x300;
	s21 =	simm.s32 $0x700;
	s22 =	simm.s32 $0x180  }
0x6: {  	s23 =	simm.s32 $0x580;
	s24 =	simm.s32 $0x380;
	s25 =	simm.s32 $0x780  }
0x7: {  	s26 =	simm.s32 $0x800;
	s28 =	simm.s32 $0x2;
	s29 =	simm.s32 $0x810  }
0x8: {  	s30 =	simm.s32 $0x0;
	s3 =	sand.u32 $0x1, s3;
	[smem:$0x7FF] =	sst s2  }
0x9: {  	s4 =	sshll.u32 s4, $0x7;
	s5 =	sshll.u32 s3, $0x6;
	_ =	strace $0x80000047  }
0xa: {  	s6 =	ssub.s32 $0x2, s3;
	s3 =	sadd.s32 $0x2200, s0;
	s8 =	sor.u32 s5, s4  }
0xb: {  	s9 =	sshrl.u32 s6, $0x1;
	s4 =	sadd.s32 $0x20C00, s0;
	s5 =	sadd.s32 $0x3F600, s0  }
0xc: {  	s7 =	sadd.s32 s8, s0;
	s31 =	ssub.s32 s6, s9;
	s8 =	sadd.s32 s1, s8  }
0xd: {  	s6 =	sadd.s32 $0x1800, s7;
	s7 =	sadd.s32 $0x1000, s7;
	s9 =	smax.u32 s31, $0x1  }
.LBB2_1:
0xe: {  	[tilespmem:s2], [sflag:$0x1] =	stream.linear.gather [hbm4b:s6+s2], $0x200, $0x38;
	[tilespmem:$0xA10] =	vst v63  }
0xf: {  	_ = 	snop  }
0x10: {  	[tilespmem:s10], [sflag:$0x1] =	stream.linear.gather [hbm4b:s7+s2], $0x200, $0x38;
	[tilespmem:$0xA10] =	vst v63  }
0x11: {  	_ =	swait.ge [sflag:s11], $0x200  }
0x12: {  	[sflag:s11] =	ssyncset.done $0x0  }
0x13: {  	[sflag:s11] =	ssyncadd.s32 $0xFFFFFE00  }
0x14: {  	_ =	swait.ge [sflag:s11], $0x200  }
0x15: {  	[sflag:s11] =	ssyncset.done $0x0  }
0x16: {  	s0 =	simm.s32 $0x400;
	[sflag:s11] =	ssyncadd.s32 $0xFFFFFE00  }
0x17: {  	[tilespmem:s0], [sflag:$0x1] =	stream.indirect.gather [hbm4b:s3+s12], $0x1, s2, s12, $0xb8;
	[tilespmem:$0xA10] =	vst v63  }
0x18: {  	s15 =	simm.s32 $0x600  }
0x19: {  	[tilespmem:s15], [sflag:$0x1] =	stream.indirect.gather [hbm4b:s4+s12], $0x1, s10, s12, $0xb8;
	[tilespmem:$0xA10] =	vst v63  }
0x1a: {  	s16 =	simm.s32 $0x480  }
0x1b: {  	[tilespmem:s16], [sflag:$0x1] =	stream.indirect.gather [hbm4b:s3+s12], $0x1, s12, s12, $0xb8;
	[tilespmem:$0xA10] =	vst v63  }
0x1c: {  	s17 =	simm.s32 $0x280;
	s1 =	simm.s32 $0x680  }
0x1d: {  	[tilespmem:s1], [sflag:$0x1] =	stream.indirect.gather [hbm4b:s4+s12], $0x1, s17, s12, $0xb8;
	[tilespmem:$0xA10] =	vst v63  }
0x1e: {  	_ = 	snop  }
0x1f: {  	[tilespmem:s19], [sflag:$0x1] =	stream.indirect.gather [hbm4b:s3+s12], $0x1, s18, s12, $0xb8;
	[tilespmem:$0xA10] =	vst v63  }
0x20: {  	_ = 	snop  }
0x21: {  	[tilespmem:s21], [sflag:$0x1] =	stream.indirect.gather [hbm4b:s4+s12], $0x1, s20, s12, $0xb8;
	[tilespmem:$0xA10] =	vst v63  }
0x22: {  	_ = 	snop  }
0x23: {  	[tilespmem:s23], [sflag:$0x1] =	stream.indirect.gather [hbm4b:s3+s12], $0x1, s22, s12, $0xb8;
	[tilespmem:$0xA10] =	vst v63  }
0x24: {  	_ = 	snop  }
0x25: {  	[tilespmem:s25], [sflag:$0x1] =	stream.indirect.gather [hbm4b:s4+s12], $0x1, s24, s12, $0xb8;
	[tilespmem:$0xA10] =	vst v63  }
0x26: {  	_ = 	snop  }
0x27: {  	[tilespmem:s26], [sflag:$0x2] =	stream.linear.gather [hbm4b:s5+s2], $0x10, $0x38;
	[tilespmem:$0xA10] =	vst v63  }
0x28: {  	_ =	swait.ge [sflag:s28], $0x10  }
0x29: {  	[sflag:s28] =	ssyncset.done $0x0  }
0x2a: {  	[sflag:s28] =	ssyncadd.s32 $0xFFFFFFF0  }
0x2b: {  	_ =	swait.ge [sflag:s11], $0x80  }
0x2c: {  	[sflag:s11] =	ssyncset.done $0x0  }
0x2d: {  	[sflag:s11] =	ssyncadd.s32 $0xFFFFFF80  }
0x2e: {  	_ =	swait.ge [sflag:s11], $0x80  }
0x2f: {  	[sflag:s11] =	ssyncset.done $0x0  }
0x30: {  	[sflag:s11] =	ssyncadd.s32 $0xFFFFFF80  }
0x31: {  	_ =	swait.ge [sflag:s11], $0x80  }
0x32: {  	[sflag:s11] =	ssyncset.done $0x0  }
0x33: {  	[sflag:s11] =	ssyncadd.s32 $0xFFFFFF80  }
0x34: {  	_ =	swait.ge [sflag:s11], $0x80  }
0x35: {  	[sflag:s11] =	ssyncset.done $0x0  }
0x36: {  	[sflag:s11] =	ssyncadd.s32 $0xFFFFFF80  }
0x37: {  	_ =	swait.ge [sflag:s11], $0x80  }
0x38: {  	[sflag:s11] =	ssyncset.done $0x0  }
0x39: {  	[sflag:s11] =	ssyncadd.s32 $0xFFFFFF80  }
0x3a: {  	_ =	swait.ge [sflag:s11], $0x80  }
0x3b: {  	[sflag:s11] =	ssyncset.done $0x0  }
0x3c: {  	[sflag:s11] =	ssyncadd.s32 $0xFFFFFF80  }
0x3d: {  	_ =	swait.ge [sflag:s11], $0x80  }
0x3e: {  	[sflag:s11] =	ssyncset.done $0x0  }
0x3f: {  	[sflag:s11] =	ssyncadd.s32 $0xFFFFFF80  }
0x40: {  	_ =	swait.ge [sflag:s11], $0x80  }
0x41: {  	[sflag:s11] =	ssyncset.done $0x0  }
0x42: {  	s31 =	simm.s32 $0x0;
	[sflag:s11] =	ssyncadd.s32 $0xFFFFFF80  }
0x43: {  	v1 =	vld [tilespmem:s31+$0x400]  }
0x44: {  	v2 =	vld [tilespmem:s31+$0x600]  }
0x45: {  	s0 =	simm.s32 $0x10;
	v0 =	vld [tilespmem:$0x800]  }
0x46: {  	v3 =	vld [tilespmem:s0+$0x400]  }
0x47: {  	v4 =	vld [tilespmem:s0+$0x600];
	_ =	sdelay $0x1  }
0x48: {  	v1 =	vadd.f32 v2, v1;
	_ =	sdelay $0x1  }
0x49: {  	v1 =	vadd.f32 v1, v0  }
0x4a: {  	v2 =	vadd.f32 v4, v3  }
0x4b: {  	s1 =	simm.s32 $0x20;
	v1 =	vsub.f32 $0.0e+00, v1  }
0x4c: {  	v3 =	vld [tilespmem:s1+$0x400];
	v2 =	vadd.f32 v2, v0  }
0x4d: {  	v4 =	vld [tilespmem:s1+$0x600];
	v1 =	vmul.f32 $1.442695020e+00, v1  }
0x4e: {  	v2 =	vsub.f32 $0.0e+00, v2  }
0x4f: {  	s13 =	simm.s32 $0x30;
	(erf) = vpow2.f32 v1  }
0x50: {  	v5 =	vld [tilespmem:s13+$0x400];
	v1 =	vmul.f32 $1.442695020e+00, v2  }
0x51: {  	v2 =	vld [tilespmem:s13+$0x600]  }
0x52: {  	(erf) = vpow2.f32 v1;
	v1 =	vadd.f32 v4, v3;
	_ =	sdelay $0x1  }
0x53: {  	v1 =	vadd.f32 v1, v0;
	_ =	sdelay $0x1  }
0x54: {  	s14 =	simm.s32 $0x40;
	v2 =	vadd.f32 v2, v5;
	v1 =	vsub.f32 $0.0e+00, v1  }
0x55: {  	v3 =	vld [tilespmem:s14+$0x400]  }
0x56: {  	v4 =	vld [tilespmem:s14+$0x600];
	v2 =	vadd.f32 v2, v0;
	v1 =	vmul.f32 $1.442695020e+00, v1;
	v5 =	vpop (erf)  }
0x57: {  	v5 =	vadd.f32 $1.000000000e+00, v5  }
0x58: {  	v2 =	vsub.f32 $0.0e+00, v2;
	(erf) = vpow2.f32 v1  }
0x59: {  	(erf) = vrcp.f32 v5  }
0x5a: {  	v2 =	vmul.f32 $1.442695020e+00, v2;
	v1 =	vpop (erf)  }
0x5b: {  	s15 =	simm.s32 $0x50;
	v3 =	vadd.f32 v4, v3;
	v4 =	vadd.f32 $1.000000000e+00, v1  }
0x5c: {  	v1 =	vld [tilespmem:s15+$0x400];
	(erf) = vpow2.f32 v2  }
0x5d: {  	v2 =	vld [tilespmem:s15+$0x600];
	(erf) = vrcp.f32 v4  }
0x5e: {  	v3 =	vadd.f32 v3, v0;
	_ =	sdelay $0x1  }
0x5f: {  	s16 =	simm.s32 $0x180;
	v3 =	vsub.f32 $0.0e+00, v3  }
.LBB2_2:
0x60: {  	s17 =	sshra.s32 s16, $0x2;
	v4 =	vpop (erf);
	p0 =	sne.s32 s16, $0x7C0  }
.Ltmp0:
0x61: {  	v5 =	vadd.f32 v2, v1;
	v1 =	vld [tilespmem:s17+$0x400];
	v3 =	vmul.f32 $1.442695020e+00, v3;
	v6 =	vpop (erf);
	(pc) =	sbr.rel @p0 .LBB2_2-.Ltmp0, $4  }
0x62: {  	s16 =	sadd.s32 $0x40, s16;
	v4 =	vadd.f32 $1.000000000e+00, v4;
	v2 =	vld [tilespmem:s17+$0x600];
	[tilespmem:s31+$0x810] =	vst v6;
	s31 =	smov.u32 s0  }
0x63: {  	s0 =	smov.u32 s1;
	s1 =	smov.u32 s13;
	s13 =	smov.u32 s14;
	v5 =	vadd.f32 v5, v0;
	(erf) = vpow2.f32 v3  }
0x64: {  	s14 =	smov.u32 s15;
	s15 =	smov.u32 s17;
	(erf) = vrcp.f32 v4  }
0x65: {  	v3 =	vsub.f32 $0.0e+00, v5  }
0x66: {  	_ = 	snop  }
0x67: {  	v1 =	vadd.f32 v2, v1;
	_ =	sdelay $0x1  }
0x68: {  	v0 =	vadd.f32 v1, v0;
	_ =	sdelay $0x1  }
0x69: {  	v54 =	vpop (erf);
	v55 =	vmul.f32 $1.442695020e+00, v3;
	v0 =	vsub.f32 $0.0e+00, v0  }
0x6a: {  	v1 =	vadd.f32 $1.000000000e+00, v54  }
0x6b: {  	(erf) = vpow2.f32 v55;
	v0 =	vmul.f32 $1.442695020e+00, v0  }
0x6c: {  	(erf) = vrcp.f32 v1  }
0x6d: {  	(erf) = vpow2.f32 v0;
	_ =	sdelay $0x3  }
0x6e: {  	v56 =	vpop (erf)  }
0x6f: {  	v57 =	vpop (erf)  }
0x70: {  	v58 =	vpop (erf)  }
0x71: {  	v59 =	vpop (erf)  }
0x72: {  	v1 =	vadd.f32 $1.000000000e+00, v57;
	v4 =	vpop (erf)  }
0x73: {  	v3 =	vadd.f32 $1.000000000e+00, v59;
	v5 =	vpop (erf)  }
0x74: {  	(erf) = vrcp.f32 v1;
	v60 =	vadd.f32 $1.000000000e+00, v5  }
0x75: {  	(erf) = vrcp.f32 v3  }
0x76: {  	(erf) = vrcp.f32 v60;
	_ =	sdelay $0x4  }
0x77: {  	[tilespmem:s31+$0x810] =	vst v56  }
0x78: {  	[tilespmem:s0+$0x810] =	vst v58  }
0x79: {  	[tilespmem:s1+$0x810] =	vst v4;
	v61 =	vpop (erf)  }
0x7a: {  	s30 =	sadd.s32 $0x1, s30;
	[tilespmem:s13+$0x810] =	vst v61;
	v62 =	vpop (erf)  }
0x7b: {  	p0 =	sne.s32 s30, s9;
	[tilespmem:s14+$0x810] =	vst v62;
	v63 =	vpop (erf)  }
.Ltmp1:
0x7c: {  	[tilespmem:s15+$0x810] =	vst v63;
	(pc) =	sbr.rel @p0 .LBB2_1-.Ltmp1, $4  }
0x7d: {  	[hbm4b:s8+s2] =	stream.linear.scatter [tilespmem:s29], [sflag:$0x2], $0x200, $0x38;
	[tilespmem:$0xA10] =	vst v63  }
0x7e: {  	_ =	swait.ge [sflag:s28], $0x200  }
0x7f: {  	[sflag:s28] =	ssyncset.done $0x0  }
0x80: {  	[sflag:s28] =	ssyncadd.s32 $0xFFFFFE00  }
0x81: {  	_ =	sfence.sel $0x180000  }
0x82: {  	[bflag:$0x0] =	sbarrier.arrive $0xFFFF  }
0x83: {  	_ =	strace $0x90000047  }
0x84: {  	s0 =	stileid.u32;
	[bflag:$0x2] =	sbarrier.arrive $0xFFFF  }
0x85: {  	p0 =	sne.s32 s0, $0x0;
	s0 =	rddreg [dreg:$0x2]  }
0x86: {  	s0 =	sadd.s32 @!p0 $0x100000, s0  }
0x87: {  	[sflag:s0] =	ssyncadd.tile.s32 @!p0 $0x1;
	_ =	shalt  }
.Lfunc_end2:
_tile_overlayer_lowered:
.L_overlay_start_2:
0x88: {  	(tag) =	ssettag $0x2  }
0x89: {  	s0 =	rddreg [dreg:$0x0];
	s2 =	stileid.u32  }
0x8a: {  	s1 =	rddreg [dreg:$0x1];
	p0 =	sne.s32 s2, $0x0  }
0x8b: {  	s3 =	rddreg [dreg:$0x2];
	[bflag:$0x3] =	sbarrier.arrive $0xFFFF;
	s2 =	simm.s32 @!p0 $0x1C02  }
0x8c: {  	[timem:s3], [sflag:s2] =	dma.local @!p0 [hbm:s0], s1  }
0x8d: {  	s0 =	simm.s32 @!p0 $0x2  }
0x8e: {  	_ =	swait.ge @!p0 [sflag:s0], s1  }
0x8f: {  	s1 =	ssub.s32 @!p0 $0x0, s1;
	[sflag:s0] =	ssyncset.done @!p0 $0x0  }
0x90: {  	[sflag:s0] =	ssyncadd.s32 @!p0 s1  }
0x91: {  	[bflag:$0x3] =	sbarrier.arrive $0xFFFF  }
0x92: {  	_ =	shalt  }

</sc_bundles>
